<compile_context>
chip_gen: v7x
topology: tpu7x:2x2x1
jax: 0.10.2.dev20260603
libtpu: 0.0.44.dev20260713+nightly
codegen_flags: <defaults>
</compile_context>

<pallas_src>
import functools

import jax
import jax.numpy as jnp
from jax import lax
from jax.experimental import pallas as pl
from jax.experimental.pallas import tpu as pltpu
from jax.experimental.pallas import tpu_sc as plsc

_N = 1048576
_C = 19
_K = 2048
_NB2 = 2 * _C * _K
_NW = 32
_M = _N * _C
_RPW = 8192 // _NW
_RCH = 8
_NCHUNK = _RPW // _RCH
_BLK = 4096


_W = _C * 128
_NR = _N // 128
_RB = 512


def _bucketize_body(x_ref, t_ref, ids_ref):
    x = x_ref[...]
    t = t_ref[...]
    ex = jnp.exp(jnp.clip(x, -60.0, 60.0))
    jj = lax.broadcasted_iota(jnp.int32, (_W, 128), 0) // _C
    rr = lax.broadcasted_iota(jnp.int32, (_W, 128), 1)
    sel = (jj == rr).astype(jnp.bfloat16)
    jj2 = lax.broadcasted_iota(jnp.int32, (128, _W), 1) // _C
    rr2 = lax.broadcasted_iota(jnp.int32, (128, _W), 0)
    selt = (jj2 == rr2).astype(jnp.bfloat16)
    s = jnp.dot(ex.astype(jnp.bfloat16), sel,
                preferred_element_type=jnp.float32)
    r = _K / s
    rexp = jnp.dot(r.astype(jnp.bfloat16), selt,
                   preferred_element_type=jnp.float32)
    texp = jnp.dot(t.astype(jnp.bfloat16), selt,
                   preferred_element_type=jnp.float32)
    cl = lax.broadcasted_iota(jnp.int32, x.shape, 1) % _C
    fg = cl.astype(jnp.float32) == texp
    b = jnp.clip((ex * rexp).astype(jnp.int32), 0, _K - 1)
    ids_ref[...] = (jnp.where(fg, _C * _K, 0) + cl * _K
                    + jnp.where(fg, (_K - 1) - b, b))


_UNROLL = 8


def _sc_hist_body(ids_hbm, out_hbm, buf0, buf1, hist, sem0, sem1):
    wid = lax.axis_index("s") * 2 + lax.axis_index("c")
    rbase = wid * _RPW
    zeros16 = jnp.zeros((16,), jnp.float32)
    ones16 = jnp.ones((16,), jnp.float32)

    def zero_body(j, carry):
        off = pl.multiple_of(j * (16 * _UNROLL), 16 * _UNROLL)
        for u in range(_UNROLL):
            hist[pl.ds(off + u * 16, 16)] = zeros16
        return carry

    lax.fori_loop(0, _NB2 // (16 * _UNROLL), zero_body, 0)

    def copy_in(k, buf, sem):
        return pltpu.make_async_copy(
            ids_hbm.at[pl.ds(rbase + k * _RCH, _RCH), :], buf, sem)

    def scatter_chunk(buf):
        def scat(j, c2):
            off = pl.multiple_of(j * 16, 16)
            for r in range(_RCH):
                idx = buf[r, pl.ds(off, 16)]
                plsc.addupdate_scatter(hist, [idx], ones16)
            return c2

        lax.fori_loop(0, _W // 16, scat, 0)

    copy_in(0, buf0, sem0).start()

    def chunk_pair(k2, carry):
        k = k2 * 2
        copy_in(0, buf0, sem0).wait()
        copy_in(k + 1, buf1, sem1).start()
        scatter_chunk(buf0)
        copy_in(0, buf1, sem1).wait()

        @pl.when(k + 2 < _NCHUNK)
        def _():
            copy_in(k + 2, buf0, sem0).start()

        scatter_chunk(buf1)
        return carry

    lax.fori_loop(0, _NCHUNK // 2, chunk_pair, 0)
    pltpu.sync_copy(hist, out_hbm.at[pl.ds(wid * _NB2, _NB2)])


@functools.cache
def _sc_hist():
    return pl.kernel(
        _sc_hist_body,
        mesh=plsc.VectorSubcoreMesh(core_axis_name="c", subcore_axis_name="s"),
        out_type=jax.ShapeDtypeStruct((_NW * _NB2,), jnp.float32),
        scratch_types=[
            pltpu.VMEM((_RCH, _W), jnp.int32),
            pltpu.VMEM((_RCH, _W), jnp.int32),
            pltpu.VMEM((_NB2,), jnp.float32),
            pltpu.SemaphoreType.DMA,
            pltpu.SemaphoreType.DMA,
        ],
        compiler_params=pltpu.CompilerParams(
            needs_layout_passes=False, use_tc_tiling_on_sc=True),
    )


def _reduce_body(h_ref, o_ref):
    h = h_ref[...]
    hs = jnp.sum(h, axis=0)
    h0 = hs[:_C]
    h1 = hs[_C:]
    row = lax.broadcasted_iota(jnp.int32, (_K, _K), 0)
    col = lax.broadcasted_iota(jnp.int32, (_K, _K), 1)
    u = (row >= col).astype(jnp.float32)
    a = jnp.dot(h1, u, preferred_element_type=jnp.float32)
    b = jnp.dot(h0, u, preferred_element_type=jnp.float32)
    g = a[:, 0:1]
    jmat = (a + b) / jnp.maximum(g + b, 1.0)
    jsum = jnp.sum(jmat, axis=1, keepdims=True)
    loss_c = (jsum - 0.5 * jmat[:, 0:1]) * (1.0 / _K)
    present = g > 0.0
    acc = jnp.sum(jnp.where(present, loss_c, 0.0))
    cnt = jnp.sum(jnp.where(present, 1.0, 0.0))
    o_ref[...] = (acc / cnt).reshape(1, 1)


def kernel(outputs, targets):
    ids = pl.pallas_call(
        _bucketize_body,
        grid=(_NR // _RB,),
        in_specs=[
            pl.BlockSpec((_RB, _W), lambda i: (i, 0)),
            pl.BlockSpec((_RB, 128), lambda i: (i, 0)),
        ],
        out_specs=pl.BlockSpec((_RB, _W), lambda i: (i, 0)),
        out_shape=jax.ShapeDtypeStruct((_NR, _W), jnp.int32),
    )(outputs.reshape(_NR, _W), targets.reshape(_NR, 128))
    hists = _sc_hist()(ids)
    out = pl.pallas_call(
        _reduce_body,
        out_shape=jax.ShapeDtypeStruct((1, 1), jnp.float32),
    )(hists.reshape(_NW, 2 * _C, _K))
    return out.reshape(())

# --- scband reference (transcript-rebuilt; emitter-appended) ---
"""Pipeline reference for scband-lovasz-softmax-loss-82411832476257 (READ-ONLY COPY).

The authoritative reference and input builder live on the scoring server;
editing this copy changes nothing except your own understanding.
"""

import jax, jax.numpy as jnp
import numpy as np


def lovasz_grad(gt_sorted):
    p = gt_sorted.shape[0]
    gts = gt_sorted.sum()
    intersection = gts - jnp.cumsum(gt_sorted)
    union = gts + jnp.cumsum(1.0 - gt_sorted)
    jaccard = 1.0 - intersection / union
    if p > 1:
        jaccard = jnp.concatenate([jaccard[:1], jaccard[1:] - jaccard[:-1]])
    return jaccard


def setup_inputs(seed: int = 0) -> dict:
    key = jax.random.key(seed)
    k1, k2 = jax.random.split(key)
    N = 1048576
    C = 19
    outputs = jax.random.normal(k1, (N, C), dtype=jnp.float32)
    targets = jax.random.randint(k2, (N,), 0, C, dtype=jnp.int32)
    return {"outputs": outputs, "targets": targets}


def reference(outputs, targets):
    # ignore is None -> no masking; classes='present'
    probs = jax.nn.softmax(outputs, axis=-1)
    C = probs.shape[1]
    acc = jnp.float32(0.0)
    count = jnp.float32(0.0)
    for c in range(C):
        fg = (targets == c).astype(jnp.float32)
        # classes == 'present': classes absent from targets contribute
        # exactly zero to both the accumulated sum and the class count.
        present = fg.sum() > 0.0
        class_pred = probs[:, c]
        errors = jnp.abs(fg - class_pred)
        perm = jnp.argsort(-errors)  # descending sort permutation
        errors_sorted = errors[perm]
        fg_sorted = fg[perm]
        grad = lovasz_grad(fg_sorted)
        loss_c = jnp.dot(errors_sorted, grad)
        acc = acc + jnp.where(present, loss_c, jnp.float32(0.0))
        count = count + jnp.where(present, jnp.float32(1.0), jnp.float32(0.0))
    # mean over collected per-class losses
    return acc / count

if __name__ == "__main__":
    import jax
    _d = setup_inputs()
    print(jax.jit(kernel)(*tuple(_d.values())))

</pallas_src>

<mosaic_0001>
#map = affine_map<(d0, d1) -> (0, 0)>
#map1 = affine_map<(d0, d1) -> (0)>
module attributes {stable_mosaic.version = 14 : i64} {
  func.func @_sc_hist_body(%arg0: i32, %arg1: i32, %arg2: memref<8192x2432xi32, #tpu.memory_space<hbm>>, %arg3: memref<2490368xf32, #tpu.memory_space<hbm>>, %arg4: memref<8x2432xi32, #tpu.memory_space<vmem>>, %arg5: memref<8x2432xi32, #tpu.memory_space<vmem>>, %arg6: memref<77824xf32, #tpu.memory_space<vmem>>, %arg7: memref<!tpu.dma_semaphore, #tpu.memory_space<semaphore_mem>>, %arg8: memref<!tpu.dma_semaphore, #tpu.memory_space<semaphore_mem>>) attributes {dimension_semantics = [#tpu.dimension_semantics<core_parallel>, #tpu.dimension_semantics<subcore_parallel>], iteration_bounds = array<i64: 2, 16>, scalar_prefetch = 0 : i64, scratch_operands = 5 : i64, tpu.core_type = #tpu.core_type<sc_vector_subcore>, window_params = [{transform_indices = #map}, {transform_indices = #map1}]} {
    %mul3A = arith.constant 2 : i32
    %mul3A_0 = arith.muli %arg1, %mul3A : i32
    %add3A = arith.addi %mul3A_0, %arg0 : i32
    %mul3A_1 = arith.constant 256 : i32
    %mul3A_2 = arith.muli %add3A, %mul3A_1 : i32
    %broadcast_in_dim3A = arith.constant 0.000000e+00 : f32
    %broadcast_in_dim3A_3 = vector.broadcast %broadcast_in_dim3A : f32 to vector<16xf32>
    %broadcast_in_dim3A_4 = arith.constant 1.000000e+00 : f32
    %broadcast_in_dim3A_5 = vector.broadcast %broadcast_in_dim3A_4 : f32 to vector<16xf32>
    %scan3A = arith.constant 0 : i32
    %scan3A_6 = arith.constant 0 : i32
    %scan3A_7 = arith.constant 608 : i32
    %scan3A_8 = arith.addi %scan3A_6, %scan3A_7 : i32
    %scan3A_9 = arith.constant 1 : i32
    scf.for %scan3A_24 = %scan3A_6 to %scan3A_8 step %scan3A_9  : i32 {
      %mul3A_25 = arith.constant 128 : i32
      %mul3A_26 = arith.muli %scan3A_24, %mul3A_25 : i32
      %multiple_of3A = tpu.assume_multiple %mul3A_26, 128 : i32
      %add3A_27 = arith.constant 0 : i32
      %add3A_28 = arith.addi %multiple_of3A, %add3A_27 : i32
      %swap3A = arith.index_cast %add3A_28 : i32 to index
      %swap3A_29 = tpu.vector_load %arg6[%swap3A] {strides = array<i32>} : memref<77824xf32, #tpu.memory_space<vmem>>, vector<16xf32>,
      tpu.vector_store %arg6[%swap3A], %broadcast_in_dim3A_3 {strides = array<i32>} : memref<77824xf32, #tpu.memory_space<vmem>>, vector<16xf32>,
      %add3A_30 = arith.constant 16 : i32
      %add3A_31 = arith.addi %multiple_of3A, %add3A_30 : i32
      %swap3A_32 = arith.index_cast %add3A_31 : i32 to index
      %swap3A_33 = tpu.vector_load %arg6[%swap3A_32] {strides = array<i32>} : memref<77824xf32, #tpu.memory_space<vmem>>, vector<16xf32>,
      tpu.vector_store %arg6[%swap3A_32], %broadcast_in_dim3A_3 {strides = array<i32>} : memref<77824xf32, #tpu.memory_space<vmem>>, vector<16xf32>,
      %add3A_34 = arith.constant 32 : i32
      %add3A_35 = arith.addi %multiple_of3A, %add3A_34 : i32
      %swap3A_36 = arith.index_cast %add3A_35 : i32 to index
      %swap3A_37 = tpu.vector_load %arg6[%swap3A_36] {strides = array<i32>} : memref<77824xf32, #tpu.memory_space<vmem>>, vector<16xf32>,
      tpu.vector_store %arg6[%swap3A_36], %broadcast_in_dim3A_3 {strides = array<i32>} : memref<77824xf32, #tpu.memory_space<vmem>>, vector<16xf32>,
      %add3A_38 = arith.constant 48 : i32
      %add3A_39 = arith.addi %multiple_of3A, %add3A_38 : i32
      %swap3A_40 = arith.index_cast %add3A_39 : i32 to index
      %swap3A_41 = tpu.vector_load %arg6[%swap3A_40] {strides = array<i32>} : memref<77824xf32, #tpu.memory_space<vmem>>, vector<16xf32>,
      tpu.vector_store %arg6[%swap3A_40], %broadcast_in_dim3A_3 {strides = array<i32>} : memref<77824xf32, #tpu.memory_space<vmem>>, vector<16xf32>,
      %add3A_42 = arith.constant 64 : i32
      %add3A_43 = arith.addi %multiple_of3A, %add3A_42 : i32
      %swap3A_44 = arith.index_cast %add3A_43 : i32 to index
      %swap3A_45 = tpu.vector_load %arg6[%swap3A_44] {strides = array<i32>} : memref<77824xf32, #tpu.memory_space<vmem>>, vector<16xf32>,
      tpu.vector_store %arg6[%swap3A_44], %broadcast_in_dim3A_3 {strides = array<i32>} : memref<77824xf32, #tpu.memory_space<vmem>>, vector<16xf32>,
      %add3A_46 = arith.constant 80 : i32
      %add3A_47 = arith.addi %multiple_of3A, %add3A_46 : i32
      %swap3A_48 = arith.index_cast %add3A_47 : i32 to index
      %swap3A_49 = tpu.vector_load %arg6[%swap3A_48] {strides = array<i32>} : memref<77824xf32, #tpu.memory_space<vmem>>, vector<16xf32>,
      tpu.vector_store %arg6[%swap3A_48], %broadcast_in_dim3A_3 {strides = array<i32>} : memref<77824xf32, #tpu.memory_space<vmem>>, vector<16xf32>,
      %add3A_50 = arith.constant 96 : i32
      %add3A_51 = arith.addi %multiple_of3A, %add3A_50 : i32
      %swap3A_52 = arith.index_cast %add3A_51 : i32 to index
      %swap3A_53 = tpu.vector_load %arg6[%swap3A_52] {strides = array<i32>} : memref<77824xf32, #tpu.memory_space<vmem>>, vector<16xf32>,
      tpu.vector_store %arg6[%swap3A_52], %broadcast_in_dim3A_3 {strides = array<i32>} : memref<77824xf32, #tpu.memory_space<vmem>>, vector<16xf32>,
      %add3A_54 = arith.constant 112 : i32
      %add3A_55 = arith.addi %multiple_of3A, %add3A_54 : i32
      %swap3A_56 = arith.index_cast %add3A_55 : i32 to index
      %swap3A_57 = tpu.vector_load %arg6[%swap3A_56] {strides = array<i32>} : memref<77824xf32, #tpu.memory_space<vmem>>, vector<16xf32>,
      tpu.vector_store %arg6[%swap3A_56], %broadcast_in_dim3A_3 {strides = array<i32>} : memref<77824xf32, #tpu.memory_space<vmem>>, vector<16xf32>,
    }
    %scan3A_10 = arith.constant 608 : i32
    %add3A_11 = arith.constant 0 : i32
    %add3A_12 = arith.addi %mul3A_2, %add3A_11 : i32
    %dma_start3A = arith.constant 0 : i32
    %dma_start3A_13 = tpu.memref_slice %arg2[%add3A_12, %dma_start3A] : memref<8192x2432xi32, #tpu.memory_space<hbm>> -> memref<8x2432xi32, #tpu.memory_space<hbm>>
    %dma_start3A_14 = arith.constant 0 : i32
    %dma_start3A_15 = tpu.memref_slice %arg2[%add3A_12, %dma_start3A_14] : memref<8192x2432xi32, #tpu.memory_space<hbm>> -> memref<8x2432xi32, #tpu.memory_space<hbm>>
    tpu.enqueue_dma source(%dma_start3A_15 : memref<8x2432xi32, #tpu.memory_space<hbm>>) target(%arg4 : memref<8x2432xi32, #tpu.memory_space<vmem>>) target_semaphore(%arg7 : memref<!tpu.dma_semaphore, #tpu.memory_space<semaphore_mem>>)
    %scan3A_16 = arith.constant 0 : i32
    %scan3A_17 = arith.constant 0 : i32
    %scan3A_18 = arith.constant 16 : i32
    %scan3A_19 = arith.addi %scan3A_17, %scan3A_18 : i32
    %scan3A_20 = arith.constant 1 : i32
    scf.for %scan3A_24 = %scan3A_17 to %scan3A_19 step %scan3A_20  : i32 {
      %mul3A_25 = arith.constant 2 : i32
      %mul3A_26 = arith.muli %scan3A_24, %mul3A_25 : i32
      %add3A_27 = arith.constant 0 : i32
      %add3A_28 = arith.addi %mul3A_2, %add3A_27 : i32
      %dma_wait3A = arith.constant 0 : i32
      %dma_wait3A_29 = tpu.memref_slice %arg2[%add3A_28, %dma_wait3A] : memref<8192x2432xi32, #tpu.memory_space<hbm>> -> memref<8x2432xi32, #tpu.memory_space<hbm>>
      %dma_wait3A_30 = arith.constant 0 : i32
      %dma_wait3A_31 = tpu.memref_slice %arg2[%add3A_28, %dma_wait3A_30] : memref<8192x2432xi32, #tpu.memory_space<hbm>> -> memref<8x2432xi32, #tpu.memory_space<hbm>>
      tpu.wait_dma2 semaphore(%arg7 : memref<!tpu.dma_semaphore, #tpu.memory_space<semaphore_mem>>) src(%dma_wait3A_31 : memref<8x2432xi32, #tpu.memory_space<hbm>>) dst(%arg4 : memref<8x2432xi32, #tpu.memory_space<vmem>>)
      %add3A_32 = arith.constant 1 : i32
      %add3A_33 = arith.addi %mul3A_26, %add3A_32 : i32
      %mul3A_34 = arith.constant 8 : i32
      %mul3A_35 = arith.muli %add3A_33, %mul3A_34 : i32
      %add3A_36 = arith.addi %mul3A_2, %mul3A_35 : i32
      %dma_start3A_37 = arith.constant 0 : i32
      %dma_start3A_38 = tpu.memref_slice %arg2[%add3A_36, %dma_start3A_37] : memref<8192x2432xi32, #tpu.memory_space<hbm>> -> memref<8x2432xi32, #tpu.memory_space<hbm>>
      %dma_start3A_39 = arith.constant 0 : i32
      %dma_start3A_40 = tpu.memref_slice %arg2[%add3A_36, %dma_start3A_39] : memref<8192x2432xi32, #tpu.memory_space<hbm>> -> memref<8x2432xi32, #tpu.memory_space<hbm>>
      tpu.enqueue_dma source(%dma_start3A_40 : memref<8x2432xi32, #tpu.memory_space<hbm>>) target(%arg5 : memref<8x2432xi32, #tpu.memory_space<vmem>>) target_semaphore(%arg8 : memref<!tpu.dma_semaphore, #tpu.memory_space<semaphore_mem>>)
      %scan3A_41 = arith.constant 0 : i32
      %scan3A_42 = arith.constant 0 : i32
      %scan3A_43 = arith.constant 152 : i32
      %scan3A_44 = arith.addi %scan3A_42, %scan3A_43 : i32
      %scan3A_45 = arith.constant 1 : i32
      scf.for %scan3A_63 = %scan3A_42 to %scan3A_44 step %scan3A_45  : i32 {
        %mul3A_64 = arith.constant 16 : i32
        %mul3A_65 = arith.muli %scan3A_63, %mul3A_64 : i32
        %multiple_of3A = tpu.assume_multiple %mul3A_65, 16 : i32
        %get3A = arith.constant 0 : i32
        %get3A_66 = arith.index_cast %get3A : i32 to index
        %get3A_67 = arith.index_cast %multiple_of3A : i32 to index
        %get3A_68 = tpu.vector_load %arg4[%get3A_66, %get3A_67] {strides = array<i32>} : memref<8x2432xi32, #tpu.memory_space<vmem>>, vector<16xi32>,
        tpu.vector_store_idx %arg6[%get3A_68], %broadcast_in_dim3A_5 {add = true} : memref<77824xf32, #tpu.memory_space<vmem>>[vector<16xi32>], vector<16xf32>,
        %get3A_69 = arith.constant 1 : i32
        %get3A_70 = arith.index_cast %get3A_69 : i32 to index
        %get3A_71 = arith.index_cast %multiple_of3A : i32 to index
        %get3A_72 = tpu.vector_load %arg4[%get3A_70, %get3A_71] {strides = array<i32>} : memref<8x2432xi32, #tpu.memory_space<vmem>>, vector<16xi32>,
        tpu.vector_store_idx %arg6[%get3A_72], %broadcast_in_dim3A_5 {add = true} : memref<77824xf32, #tpu.memory_space<vmem>>[vector<16xi32>], vector<16xf32>,
        %get3A_73 = arith.constant 2 : i32
        %get3A_74 = arith.index_cast %get3A_73 : i32 to index
        %get3A_75 = arith.index_cast %multiple_of3A : i32 to index
        %get3A_76 = tpu.vector_load %arg4[%get3A_74, %get3A_75] {strides = array<i32>} : memref<8x2432xi32, #tpu.memory_space<vmem>>, vector<16xi32>,
        tpu.vector_store_idx %arg6[%get3A_76], %broadcast_in_dim3A_5 {add = true} : memref<77824xf32, #tpu.memory_space<vmem>>[vector<16xi32>], vector<16xf32>,
        %get3A_77 = arith.constant 3 : i32
        %get3A_78 = arith.index_cast %get3A_77 : i32 to index
        %get3A_79 = arith.index_cast %multiple_of3A : i32 to index
        %get3A_80 = tpu.vector_load %arg4[%get3A_78, %get3A_79] {strides = array<i32>} : memref<8x2432xi32, #tpu.memory_space<vmem>>, vector<16xi32>,
        tpu.vector_store_idx %arg6[%get3A_80], %broadcast_in_dim3A_5 {add = true} : memref<77824xf32, #tpu.memory_space<vmem>>[vector<16xi32>], vector<16xf32>,
        %get3A_81 = arith.constant 4 : i32
        %get3A_82 = arith.index_cast %get3A_81 : i32 to index
        %get3A_83 = arith.index_cast %multiple_of3A : i32 to index
        %get3A_84 = tpu.vector_load %arg4[%get3A_82, %get3A_83] {strides = array<i32>} : memref<8x2432xi32, #tpu.memory_space<vmem>>, vector<16xi32>,
        tpu.vector_store_idx %arg6[%get3A_84], %broadcast_in_dim3A_5 {add = true} : memref<77824xf32, #tpu.memory_space<vmem>>[vector<16xi32>], vector<16xf32>,
        %get3A_85 = arith.constant 5 : i32
        %get3A_86 = arith.index_cast %get3A_85 : i32 to index
        %get3A_87 = arith.index_cast %multiple_of3A : i32 to index
        %get3A_88 = tpu.vector_load %arg4[%get3A_86, %get3A_87] {strides = array<i32>} : memref<8x2432xi32, #tpu.memory_space<vmem>>, vector<16xi32>,
        tpu.vector_store_idx %arg6[%get3A_88], %broadcast_in_dim3A_5 {add = true} : memref<77824xf32, #tpu.memory_space<vmem>>[vector<16xi32>], vector<16xf32>,
        %get3A_89 = arith.constant 6 : i32
        %get3A_90 = arith.index_cast %get3A_89 : i32 to index
        %get3A_91 = arith.index_cast %multiple_of3A : i32 to index
        %get3A_92 = tpu.vector_load %arg4[%get3A_90, %get3A_91] {strides = array<i32>} : memref<8x2432xi32, #tpu.memory_space<vmem>>, vector<16xi32>,
        tpu.vector_store_idx %arg6[%get3A_92], %broadcast_in_dim3A_5 {add = true} : memref<77824xf32, #tpu.memory_space<vmem>>[vector<16xi32>], vector<16xf32>,
        %get3A_93 = arith.constant 7 : i32
        %get3A_94 = arith.index_cast %get3A_93 : i32 to index
        %get3A_95 = arith.index_cast %multiple_of3A : i32 to index
        %get3A_96 = tpu.vector_load %arg4[%get3A_94, %get3A_95] {strides = array<i32>} : memref<8x2432xi32, #tpu.memory_space<vmem>>, vector<16xi32>,
        tpu.vector_store_idx %arg6[%get3A_96], %broadcast_in_dim3A_5 {add = true} : memref<77824xf32, #tpu.memory_space<vmem>>[vector<16xi32>], vector<16xf32>,
      }
      %scan3A_46 = arith.constant 152 : i32
      %add3A_47 = arith.constant 0 : i32
      %add3A_48 = arith.addi %mul3A_2, %add3A_47 : i32
      %dma_wait3A_49 = arith.constant 0 : i32
      %dma_wait3A_50 = tpu.memref_slice %arg2[%add3A_48, %dma_wait3A_49] : memref<8192x2432xi32, #tpu.memory_space<hbm>> -> memref<8x2432xi32, #tpu.memory_space<hbm>>
      %dma_wait3A_51 = arith.constant 0 : i32
      %dma_wait3A_52 = tpu.memref_slice %arg2[%add3A_48, %dma_wait3A_51] : memref<8192x2432xi32, #tpu.memory_space<hbm>> -> memref<8x2432xi32, #tpu.memory_space<hbm>>
      tpu.wait_dma2 semaphore(%arg8 : memref<!tpu.dma_semaphore, #tpu.memory_space<semaphore_mem>>) src(%dma_wait3A_52 : memref<8x2432xi32, #tpu.memory_space<hbm>>) dst(%arg5 : memref<8x2432xi32, #tpu.memory_space<vmem>>)
      %add3A_53 = arith.constant 2 : i32
      %add3A_54 = arith.addi %mul3A_26, %add3A_53 : i32
      %lt3A = arith.constant 32 : i32
      %lt3A_55 = arith.cmpi slt, %add3A_54, %lt3A : i32
      %convert_element_type3A = arith.extui %lt3A_55 : i1 to i32
      %cond3A = arith.constant 0 : i32
      %cond3A_56 = arith.cmpi ne, %convert_element_type3A, %cond3A : i32
      scf.if %cond3A_56 {
        %add3A_63 = arith.constant 2 : i32
        %add3A_64 = arith.addi %mul3A_26, %add3A_63 : i32
        %mul3A_65 = arith.constant 8 : i32
        %mul3A_66 = arith.muli %add3A_64, %mul3A_65 : i32
        %add3A_67 = arith.addi %mul3A_2, %mul3A_66 : i32
        %dma_start3A_68 = arith.constant 0 : i32
        %dma_start3A_69 = tpu.memref_slice %arg2[%add3A_67, %dma_start3A_68] : memref<8192x2432xi32, #tpu.memory_space<hbm>> -> memref<8x2432xi32, #tpu.memory_space<hbm>>
        %dma_start3A_70 = arith.constant 0 : i32
        %dma_start3A_71 = tpu.memref_slice %arg2[%add3A_67, %dma_start3A_70] : memref<8192x2432xi32, #tpu.memory_space<hbm>> -> memref<8x2432xi32, #tpu.memory_space<hbm>>
        tpu.enqueue_dma source(%dma_start3A_71 : memref<8x2432xi32, #tpu.memory_space<hbm>>) target(%arg4 : memref<8x2432xi32, #tpu.memory_space<vmem>>) target_semaphore(%arg7 : memref<!tpu.dma_semaphore, #tpu.memory_space<semaphore_mem>>)
      } else {
      }
      %scan3A_57 = arith.constant 0 : i32
      %scan3A_58 = arith.constant 0 : i32
      %scan3A_59 = arith.constant 152 : i32
      %scan3A_60 = arith.addi %scan3A_58, %scan3A_59 : i32
      %scan3A_61 = arith.constant 1 : i32
      scf.for %scan3A_63 = %scan3A_58 to %scan3A_60 step %scan3A_61  : i32 {
        %mul3A_64 = arith.constant 16 : i32
        %mul3A_65 = arith.muli %scan3A_63, %mul3A_64 : i32
        %multiple_of3A = tpu.assume_multiple %mul3A_65, 16 : i32
        %get3A = arith.constant 0 : i32
        %get3A_66 = arith.index_cast %get3A : i32 to index
        %get3A_67 = arith.index_cast %multiple_of3A : i32 to index
        %get3A_68 = tpu.vector_load %arg5[%get3A_66, %get3A_67] {strides = array<i32>} : memref<8x2432xi32, #tpu.memory_space<vmem>>, vector<16xi32>,
        tpu.vector_store_idx %arg6[%get3A_68], %broadcast_in_dim3A_5 {add = true} : memref<77824xf32, #tpu.memory_space<vmem>>[vector<16xi32>], vector<16xf32>,
        %get3A_69 = arith.constant 1 : i32
        %get3A_70 = arith.index_cast %get3A_69 : i32 to index
        %get3A_71 = arith.index_cast %multiple_of3A : i32 to index
        %get3A_72 = tpu.vector_load %arg5[%get3A_70, %get3A_71] {strides = array<i32>} : memref<8x2432xi32, #tpu.memory_space<vmem>>, vector<16xi32>,
        tpu.vector_store_idx %arg6[%get3A_72], %broadcast_in_dim3A_5 {add = true} : memref<77824xf32, #tpu.memory_space<vmem>>[vector<16xi32>], vector<16xf32>,
        %get3A_73 = arith.constant 2 : i32
        %get3A_74 = arith.index_cast %get3A_73 : i32 to index
        %get3A_75 = arith.index_cast %multiple_of3A : i32 to index
        %get3A_76 = tpu.vector_load %arg5[%get3A_74, %get3A_75] {strides = array<i32>} : memref<8x2432xi32, #tpu.memory_space<vmem>>, vector<16xi32>,
        tpu.vector_store_idx %arg6[%get3A_76], %broadcast_in_dim3A_5 {add = true} : memref<77824xf32, #tpu.memory_space<vmem>>[vector<16xi32>], vector<16xf32>,
        %get3A_77 = arith.constant 3 : i32
        %get3A_78 = arith.index_cast %get3A_77 : i32 to index
        %get3A_79 = arith.index_cast %multiple_of3A : i32 to index
        %get3A_80 = tpu.vector_load %arg5[%get3A_78, %get3A_79] {strides = array<i32>} : memref<8x2432xi32, #tpu.memory_space<vmem>>, vector<16xi32>,
        tpu.vector_store_idx %arg6[%get3A_80], %broadcast_in_dim3A_5 {add = true} : memref<77824xf32, #tpu.memory_space<vmem>>[vector<16xi32>], vector<16xf32>,
        %get3A_81 = arith.constant 4 : i32
        %get3A_82 = arith.index_cast %get3A_81 : i32 to index
        %get3A_83 = arith.index_cast %multiple_of3A : i32 to index
        %get3A_84 = tpu.vector_load %arg5[%get3A_82, %get3A_83] {strides = array<i32>} : memref<8x2432xi32, #tpu.memory_space<vmem>>, vector<16xi32>,
        tpu.vector_store_idx %arg6[%get3A_84], %broadcast_in_dim3A_5 {add = true} : memref<77824xf32, #tpu.memory_space<vmem>>[vector<16xi32>], vector<16xf32>,
        %get3A_85 = arith.constant 5 : i32
        %get3A_86 = arith.index_cast %get3A_85 : i32 to index
        %get3A_87 = arith.index_cast %multiple_of3A : i32 to index
        %get3A_88 = tpu.vector_load %arg5[%get3A_86, %get3A_87] {strides = array<i32>} : memref<8x2432xi32, #tpu.memory_space<vmem>>, vector<16xi32>,
        tpu.vector_store_idx %arg6[%get3A_88], %broadcast_in_dim3A_5 {add = true} : memref<77824xf32, #tpu.memory_space<vmem>>[vector<16xi32>], vector<16xf32>,
        %get3A_89 = arith.constant 6 : i32
        %get3A_90 = arith.index_cast %get3A_89 : i32 to index
        %get3A_91 = arith.index_cast %multiple_of3A : i32 to index
        %get3A_92 = tpu.vector_load %arg5[%get3A_90, %get3A_91] {strides = array<i32>} : memref<8x2432xi32, #tpu.memory_space<vmem>>, vector<16xi32>,
        tpu.vector_store_idx %arg6[%get3A_92], %broadcast_in_dim3A_5 {add = true} : memref<77824xf32, #tpu.memory_space<vmem>>[vector<16xi32>], vector<16xf32>,
        %get3A_93 = arith.constant 7 : i32
        %get3A_94 = arith.index_cast %get3A_93 : i32 to index
        %get3A_95 = arith.index_cast %multiple_of3A : i32 to index
        %get3A_96 = tpu.vector_load %arg5[%get3A_94, %get3A_95] {strides = array<i32>} : memref<8x2432xi32, #tpu.memory_space<vmem>>, vector<16xi32>,
        tpu.vector_store_idx %arg6[%get3A_96], %broadcast_in_dim3A_5 {add = true} : memref<77824xf32, #tpu.memory_space<vmem>>[vector<16xi32>], vector<16xf32>,
      }
      %scan3A_62 = arith.constant 152 : i32
    }
    %scan3A_21 = arith.constant 16 : i32
    %mul3A_22 = arith.constant 77824 : i32
    %mul3A_23 = arith.muli %add3A, %mul3A_22 : i32
    "tpu.region"() ({
      %run_scoped3A = tpu.sem_alloc : memref<!tpu.dma_semaphore, #tpu.memory_space<semaphore_mem>>
      %dma_start3A_24 = tpu.memref_slice %arg3[%mul3A_23] : memref<2490368xf32, #tpu.memory_space<hbm>> -> memref<77824xf32, #tpu.memory_space<hbm>>
      %dma_start3A_25 = tpu.memref_slice %arg3[%mul3A_23] : memref<2490368xf32, #tpu.memory_space<hbm>> -> memref<77824xf32, #tpu.memory_space<hbm>>
      tpu.enqueue_dma source(%arg6 : memref<77824xf32, #tpu.memory_space<vmem>>) target(%dma_start3A_25 : memref<77824xf32, #tpu.memory_space<hbm>>) target_semaphore(%run_scoped3A : memref<!tpu.dma_semaphore, #tpu.memory_space<semaphore_mem>>)
      %dma_wait3A = tpu.memref_slice %arg3[%mul3A_23] : memref<2490368xf32, #tpu.memory_space<hbm>> -> memref<77824xf32, #tpu.memory_space<hbm>>
      %dma_wait3A_26 = tpu.memref_slice %arg3[%mul3A_23] : memref<2490368xf32, #tpu.memory_space<hbm>> -> memref<77824xf32, #tpu.memory_space<hbm>>
      tpu.wait_dma2 semaphore(%run_scoped3A : memref<!tpu.dma_semaphore, #tpu.memory_space<semaphore_mem>>) src(%arg6 : memref<77824xf32, #tpu.memory_space<vmem>>) dst(%dma_wait3A_26 : memref<77824xf32, #tpu.memory_space<hbm>>)
      tpu.yield
    }) : () -> ()
    return
  }
}

module attributes {stable_mosaic.version = 14 : i64} {
  func.func @_bucketize_body(%arg0: i32, %arg1: memref<512x2432xf32, #tpu.memory_space<vmem>>, %arg2: memref<512x128xi32, #tpu.memory_space<vmem>>, %arg3: memref<512x2432xi32, #tpu.memory_space<vmem>>) attributes {dimension_semantics = [#tpu.dimension_semantics<arbitrary>], iteration_bounds = array<i64: 16>, scalar_prefetch = 0 : i64, scratch_operands = 0 : i64, tpu.core_type = #tpu.core_type<tc>, window_params = [{transform_indices = @transform_0, window_bounds = array<i64: 512, 2432>}, {transform_indices = @transform_1, window_bounds = array<i64: 512, 128>}, {transform_indices = @transform_2, window_bounds = array<i64: 512, 2432>}]} {
    %get3A = arith.constant 0 : index
    %get3A_0 = arith.constant 0 : index
    %get3A_1 = vector.load %arg1[%get3A, %get3A_0] : memref<512x2432xf32, #tpu.memory_space<vmem>>, vector<512x2432xf32>
    %get3A_2 = arith.constant 0 : index
    %get3A_3 = arith.constant 0 : index
    %get3A_4 = vector.load %arg2[%get3A_2, %get3A_3] : memref<512x128xi32, #tpu.memory_space<vmem>>, vector<512x128xi32>
    %jit3A = arith.constant -6.000000e+01 : f32
    %jit3A_5 = arith.constant 6.000000e+01 : f32
    %max3A = vector.broadcast %jit3A : f32 to vector<512x2432xf32>
    %max3A_6 = arith.maximumf %max3A, %get3A_1 : vector<512x2432xf32>
    %min3A = vector.broadcast %jit3A_5 : f32 to vector<512x2432xf32>
    %min3A_7 = arith.minimumf %min3A, %max3A_6 : vector<512x2432xf32>
    %exp3A = math.exp %min3A_7 : vector<512x2432xf32>
    %iota3A = tpu.iota {dimensions = array<i32: 0>} : vector<2432x128xi32>
    %jit3A_8 = arith.constant 19 : i32
    %div3A = vector.broadcast %jit3A_8 : i32 to vector<2432x128xi32>
    %div3A_9 = arith.divsi %iota3A, %div3A : vector<2432x128xi32>
    %sign3A = arith.constant 0 : i32
    %sign3A_10 = vector.broadcast %sign3A : i32 to vector<2432x128xi32>
    %sign3A_11 = arith.cmpi sgt, %iota3A, %sign3A_10 : vector<2432x128xi32>
    %sign3A_12 = arith.extui %sign3A_11 : vector<2432x128xi1> to vector<2432x128xi32>
    %sign3A_13 = arith.constant 0 : i32
    %sign3A_14 = vector.broadcast %sign3A_13 : i32 to vector<2432x128xi32>
    %sign3A_15 = arith.cmpi slt, %iota3A, %sign3A_14 : vector<2432x128xi32>
    %sign3A_16 = arith.extui %sign3A_15 : vector<2432x128xi1> to vector<2432x128xi32>
    %sign3A_17 = arith.subi %sign3A_12, %sign3A_16 : vector<2432x128xi32>
    %sign3A_18 = arith.constant 0 : i32
    %sign3A_19 = arith.cmpi sgt, %jit3A_8, %sign3A_18 : i32
    %sign3A_20 = arith.extui %sign3A_19 : i1 to i32
    %sign3A_21 = arith.constant 0 : i32
    %sign3A_22 = arith.cmpi slt, %jit3A_8, %sign3A_21 : i32
    %sign3A_23 = arith.extui %sign3A_22 : i1 to i32
    %sign3A_24 = arith.subi %sign3A_20, %sign3A_23 : i32
    %ne3A = vector.broadcast %sign3A_24 : i32 to vector<2432x128xi32>
    %ne3A_25 = arith.cmpi ne, %sign3A_17, %ne3A : vector<2432x128xi32>
    %rem3A = vector.broadcast %jit3A_8 : i32 to vector<2432x128xi32>
    %rem3A_26 = arith.remsi %iota3A, %rem3A : vector<2432x128xi32>
    %ne3A_27 = arith.constant 0 : i32
    %ne3A_28 = vector.broadcast %ne3A_27 : i32 to vector<2432x128xi32>
    %ne3A_29 = arith.cmpi ne, %rem3A_26, %ne3A_28 : vector<2432x128xi32>
    %and3A = arith.andi %ne3A_25, %ne3A_29 : vector<2432x128xi1>
    %sub3A = arith.constant 1 : i32
    %sub3A_30 = vector.broadcast %sub3A : i32 to vector<2432x128xi32>
    %sub3A_31 = arith.subi %div3A_9, %sub3A_30 : vector<2432x128xi32>
    %select_n3A = arith.select %and3A, %sub3A_31, %div3A_9 : vector<2432x128xi1>, vector<2432x128xi32>
    %iota3A_32 = tpu.iota {dimensions = array<i32: 1>} : vector<2432x128xi32>
    %eq3A = arith.cmpi eq, %select_n3A, %iota3A_32 : vector<2432x128xi32>
    %convert_element_type3A = arith.extui %eq3A : vector<2432x128xi1> to vector<2432x128xi32>
    %convert_element_type3A_33 = arith.sitofp %convert_element_type3A : vector<2432x128xi32> to vector<2432x128xf32>
    %convert_element_type3A_34 = arith.truncf %convert_element_type3A_33 : vector<2432x128xf32> to vector<2432x128xbf16>
    %iota3A_35 = tpu.iota {dimensions = array<i32: 1>} : vector<128x2432xi32>
    %jit3A_36 = arith.constant 19 : i32
    %div3A_37 = vector.broadcast %jit3A_36 : i32 to vector<128x2432xi32>
    %div3A_38 = arith.divsi %iota3A_35, %div3A_37 : vector<128x2432xi32>
    %sign3A_39 = arith.constant 0 : i32
    %sign3A_40 = vector.broadcast %sign3A_39 : i32 to vector<128x2432xi32>
    %sign3A_41 = arith.cmpi sgt, %iota3A_35, %sign3A_40 : vector<128x2432xi32>
    %sign3A_42 = arith.extui %sign3A_41 : vector<128x2432xi1> to vector<128x2432xi32>
    %sign3A_43 = arith.constant 0 : i32
    %sign3A_44 = vector.broadcast %sign3A_43 : i32 to vector<128x2432xi32>
    %sign3A_45 = arith.cmpi slt, %iota3A_35, %sign3A_44 : vector<128x2432xi32>
    %sign3A_46 = arith.extui %sign3A_45 : vector<128x2432xi1> to vector<128x2432xi32>
    %sign3A_47 = arith.subi %sign3A_42, %sign3A_46 : vector<128x2432xi32>
    %sign3A_48 = arith.constant 0 : i32
    %sign3A_49 = arith.cmpi sgt, %jit3A_36, %sign3A_48 : i32
    %sign3A_50 = arith.extui %sign3A_49 : i1 to i32
    %sign3A_51 = arith.constant 0 : i32
    %sign3A_52 = arith.cmpi slt, %jit3A_36, %sign3A_51 : i32
    %sign3A_53 = arith.extui %sign3A_52 : i1 to i32
    %sign3A_54 = arith.subi %sign3A_50, %sign3A_53 : i32
    %ne3A_55 = vector.broadcast %sign3A_54 : i32 to vector<128x2432xi32>
    %ne3A_56 = arith.cmpi ne, %sign3A_47, %ne3A_55 : vector<128x2432xi32>
    %rem3A_57 = vector.broadcast %jit3A_36 : i32 to vector<128x2432xi32>
    %rem3A_58 = arith.remsi %iota3A_35, %rem3A_57 : vector<128x2432xi32>
    %ne3A_59 = arith.constant 0 : i32
    %ne3A_60 = vector.broadcast %ne3A_59 : i32 to vector<128x2432xi32>
    %ne3A_61 = arith.cmpi ne, %rem3A_58, %ne3A_60 : vector<128x2432xi32>
    %and3A_62 = arith.andi %ne3A_56, %ne3A_61 : vector<128x2432xi1>
    %sub3A_63 = arith.constant 1 : i32
    %sub3A_64 = vector.broadcast %sub3A_63 : i32 to vector<128x2432xi32>
    %sub3A_65 = arith.subi %div3A_38, %sub3A_64 : vector<128x2432xi32>
    %select_n3A_66 = arith.select %and3A_62, %sub3A_65, %div3A_38 : vector<128x2432xi1>, vector<128x2432xi32>
    %iota3A_67 = tpu.iota {dimensions = array<i32: 0>} : vector<128x2432xi32>
    %eq3A_68 = arith.cmpi eq, %select_n3A_66, %iota3A_67 : vector<128x2432xi32>
    %convert_element_type3A_69 = arith.extui %eq3A_68 : vector<128x2432xi1> to vector<128x2432xi32>
    %convert_element_type3A_70 = arith.sitofp %convert_element_type3A_69 : vector<128x2432xi32> to vector<128x2432xf32>
    %convert_element_type3A_71 = arith.truncf %convert_element_type3A_70 : vector<128x2432xf32> to vector<128x2432xbf16>
    %convert_element_type3A_72 = arith.truncf %exp3A : vector<512x2432xf32> to vector<512x2432xbf16>
    %dot_general3A = arith.constant dense<0.000000e+00> : vector<512x128xf32>
    %dot_general3A_73 = tpu.matmul %convert_element_type3A_72, %convert_element_type3A_34, %dot_general3A {dimension_numbers = #tpu.dot_dimension_numbers<[1], [0], [0], [1], [0, 0, 1, 1], [], []>, transpose_lhs_hint = false} : vector<512x2432xbf16>, vector<2432x128xbf16>, vector<512x128xf32> -> vector<512x128xf32>
    %div3A_74 = arith.constant 2.048000e+03 : f32
    %div3A_75 = vector.broadcast %div3A_74 : f32 to vector<512x128xf32>
    %div3A_76 = arith.divf %div3A_75, %dot_general3A_73 : vector<512x128xf32>
    %convert_element_type3A_77 = arith.truncf %div3A_76 : vector<512x128xf32> to vector<512x128xbf16>
    %dot_general3A_78 = arith.constant dense<0.000000e+00> : vector<512x2432xf32>
    %dot_general3A_79 = tpu.matmul %convert_element_type3A_77, %convert_element_type3A_71, %dot_general3A_78 {dimension_numbers = #tpu.dot_dimension_numbers<[1], [0], [0], [1], [0, 0, 1, 1], [], []>, transpose_lhs_hint = false} : vector<512x128xbf16>, vector<128x2432xbf16>, vector<512x2432xf32> -> vector<512x2432xf32>
    %convert_element_type3A_80 = arith.sitofp %get3A_4 : vector<512x128xi32> to vector<512x128xbf16>
    %dot_general3A_81 = arith.constant dense<0.000000e+00> : vector<512x2432xf32>
    %dot_general3A_82 = tpu.matmul %convert_element_type3A_80, %convert_element_type3A_71, %dot_general3A_81 {dimension_numbers = #tpu.dot_dimension_numbers<[1], [0], [0], [1], [0, 0, 1, 1], [], []>, transpose_lhs_hint = false} : vector<512x128xbf16>, vector<128x2432xbf16>, vector<512x2432xf32> -> vector<512x2432xf32>
    %iota3A_83 = tpu.iota {dimensions = array<i32: 1>} : vector<512x2432xi32>
    %jit3A_84 = arith.constant 19 : i32
    %eq3A_85 = arith.constant 0 : i32
    %eq3A_86 = arith.cmpi eq, %jit3A_84, %eq3A_85 : i32
    %jit3A_87 = arith.constant 1 : i32
    %select_n3A_88 = arith.select %eq3A_86, %jit3A_87, %jit3A_84 : i32
    %rem3A_89 = vector.broadcast %select_n3A_88 : i32 to vector<512x2432xi32>
    %rem3A_90 = arith.remsi %iota3A_83, %rem3A_89 : vector<512x2432xi32>
    %ne3A_91 = arith.constant 0 : i32
    %ne3A_92 = vector.broadcast %ne3A_91 : i32 to vector<512x2432xi32>
    %ne3A_93 = arith.cmpi ne, %rem3A_90, %ne3A_92 : vector<512x2432xi32>
    %lt3A = arith.constant 0 : i32
    %lt3A_94 = vector.broadcast %lt3A : i32 to vector<512x2432xi32>
    %lt3A_95 = arith.cmpi slt, %rem3A_90, %lt3A_94 : vector<512x2432xi32>
    %lt3A_96 = arith.constant 0 : i32
    %lt3A_97 = arith.cmpi slt, %select_n3A_88, %lt3A_96 : i32
    %ne3A_98 = vector.broadcast %lt3A_97 : i1 to vector<512x2432xi1>
    %ne3A_99 = vector.broadcast %ne3A_98 : vector<512x2432xi1> to vector<512x2432xi1>
    %ne3A_100 = arith.xori %lt3A_95, %ne3A_99 : vector<512x2432xi1>
    %and3A_101 = arith.andi %ne3A_100, %ne3A_93 : vector<512x2432xi1>
    %add3A = vector.broadcast %select_n3A_88 : i32 to vector<512x2432xi32>
    %add3A_102 = arith.addi %rem3A_90, %add3A : vector<512x2432xi32>
    %select_n3A_103 = arith.select %and3A_101, %add3A_102, %rem3A_90 : vector<512x2432xi1>, vector<512x2432xi32>
    %convert_element_type3A_104 = arith.sitofp %select_n3A_103 : vector<512x2432xi32> to vector<512x2432xf32>
    %eq3A_105 = arith.cmpf oeq, %convert_element_type3A_104, %dot_general3A_82 : vector<512x2432xf32>
    %mul3A = arith.mulf %exp3A, %dot_general3A_79 : vector<512x2432xf32>
    %convert_element_type3A_106 = arith.fptosi %mul3A : vector<512x2432xf32> to vector<512x2432xi32>
    %jit3A_107 = arith.constant 0 : i32
    %jit3A_108 = arith.constant 2047 : i32
    %max3A_109 = vector.broadcast %jit3A_107 : i32 to vector<512x2432xi32>
    %max3A_110 = arith.maxsi %max3A_109, %convert_element_type3A_106 : vector<512x2432xi32>
    %min3A_111 = vector.broadcast %jit3A_108 : i32 to vector<512x2432xi32>
    %min3A_112 = arith.minsi %min3A_111, %max3A_110 : vector<512x2432xi32>
    %jit3A_113 = arith.constant 38912 : i32
    %jit3A_114 = arith.constant 0 : i32
    %broadcast_in_dim3A = vector.broadcast %jit3A_113 : i32 to vector<512x2432xi32>
    %broadcast_in_dim3A_115 = vector.broadcast %jit3A_114 : i32 to vector<512x2432xi32>
    %select_n3A_116 = arith.select %eq3A_105, %broadcast_in_dim3A, %broadcast_in_dim3A_115 : vector<512x2432xi1>, vector<512x2432xi32>
    %mul3A_117 = arith.constant 2048 : i32
    %mul3A_118 = vector.broadcast %mul3A_117 : i32 to vector<512x2432xi32>
    %mul3A_119 = arith.muli %select_n3A_103, %mul3A_118 : vector<512x2432xi32>
    %add3A_120 = arith.addi %select_n3A_116, %mul3A_119 : vector<512x2432xi32>
    %sub3A_121 = arith.constant 2047 : i32
    %sub3A_122 = vector.broadcast %sub3A_121 : i32 to vector<512x2432xi32>
    %sub3A_123 = arith.subi %sub3A_122, %min3A_112 : vector<512x2432xi32>
    %select_n3A_124 = arith.select %eq3A_105, %sub3A_123, %min3A_112 : vector<512x2432xi1>, vector<512x2432xi32>
    %add3A_125 = arith.addi %add3A_120, %select_n3A_124 : vector<512x2432xi32>
    %swap3A = arith.constant 0 : index
    %swap3A_126 = arith.constant 0 : index
    %swap3A_127 = vector.load %arg3[%swap3A, %swap3A_126] : memref<512x2432xi32, #tpu.memory_space<vmem>>, vector<512x2432xi32>
    tpu.vector_store %arg3[%swap3A, %swap3A_126], %add3A_125 {strides = array<i32>} : memref<512x2432xi32, #tpu.memory_space<vmem>>, vector<512x2432xi32>,
    return
  }
  func.func @transform_0(%arg0: i32) -> (i32, i32) {
    %c0_i32 = arith.constant 0 : i32
    %c0_i32_0 = arith.constant 0 : i32
    return %arg0, %c0_i32 : i32, i32
  }
  func.func @transform_1(%arg0: i32) -> (i32, i32) {
    %c0_i32 = arith.constant 0 : i32
    %c0_i32_0 = arith.constant 0 : i32
    return %arg0, %c0_i32 : i32, i32
  }
  func.func @transform_2(%arg0: i32) -> (i32, i32) {
    %c0_i32 = arith.constant 0 : i32
    %c0_i32_0 = arith.constant 0 : i32
    return %arg0, %c0_i32 : i32, i32
  }
}

module attributes {stable_mosaic.version = 14 : i64} {
  func.func @_reduce_body(%arg0: memref<32x38x2048xf32, #tpu.memory_space<vmem>>, %arg1: memref<1x1xf32, #tpu.memory_space<vmem>>) attributes {dimension_semantics = [], scalar_prefetch = 0 : i64, scratch_operands = 0 : i64, tpu.core_type = #tpu.core_type<tc>} {
    %get3A = arith.constant 0 : index
    %get3A_0 = arith.constant 0 : index
    %get3A_1 = arith.constant 0 : index
    %get3A_2 = vector.load %arg0[%get3A, %get3A_0, %get3A_1] : memref<32x38x2048xf32, #tpu.memory_space<vmem>>, vector<32x38x2048xf32>
    %reduce_sum3A = arith.constant dense<0.000000e+00> : vector<38x2048xf32>
    %reduce_sum3A_3 = vector.multi_reduction <add>, %get3A_2, %reduce_sum3A [0] : vector<32x38x2048xf32> to vector<38x2048xf32>
    %slice3A = vector.extract_strided_slice %reduce_sum3A_3 {offsets = [0, 0], sizes = [19, 2048], strides = [1, 1]} : vector<38x2048xf32> to vector<19x2048xf32>
    %slice3A_4 = vector.extract_strided_slice %reduce_sum3A_3 {offsets = [19, 0], sizes = [19, 2048], strides = [1, 1]} : vector<38x2048xf32> to vector<19x2048xf32>
    %iota3A = tpu.iota {dimensions = array<i32: 0>} : vector<2048x2048xi32>
    %iota3A_5 = tpu.iota {dimensions = array<i32: 1>} : vector<2048x2048xi32>
    %ge3A = arith.cmpi sge, %iota3A, %iota3A_5 : vector<2048x2048xi32>
    %convert_element_type3A = arith.extui %ge3A : vector<2048x2048xi1> to vector<2048x2048xi32>
    %convert_element_type3A_6 = arith.sitofp %convert_element_type3A : vector<2048x2048xi32> to vector<2048x2048xf32>
    %dot_general3A = arith.constant dense<0.000000e+00> : vector<19x2048xf32>
    %dot_general3A_7 = tpu.matmul %slice3A_4, %convert_element_type3A_6, %dot_general3A {dimension_numbers = #tpu.dot_dimension_numbers<[1], [0], [0], [1], [0, 0, 1, 1], [], []>, transpose_lhs_hint = false} : vector<19x2048xf32>, vector<2048x2048xf32>, vector<19x2048xf32> -> vector<19x2048xf32>
    %dot_general3A_8 = arith.constant dense<0.000000e+00> : vector<19x2048xf32>
    %dot_general3A_9 = tpu.matmul %slice3A, %convert_element_type3A_6, %dot_general3A_8 {dimension_numbers = #tpu.dot_dimension_numbers<[1], [0], [0], [1], [0, 0, 1, 1], [], []>, transpose_lhs_hint = false} : vector<19x2048xf32>, vector<2048x2048xf32>, vector<19x2048xf32> -> vector<19x2048xf32>
    %slice3A_10 = vector.extract_strided_slice %dot_general3A_7 {offsets = [0, 0], sizes = [19, 1], strides = [1, 1]} : vector<19x2048xf32> to vector<19x1xf32>
    %add3A = arith.addf %dot_general3A_7, %dot_general3A_9 : vector<19x2048xf32>
    %add3A_11 = vector.broadcast %slice3A_10 : vector<19x1xf32> to vector<19x2048xf32>
    %add3A_12 = arith.addf %add3A_11, %dot_general3A_9 : vector<19x2048xf32>
    %max3A = arith.constant 1.000000e+00 : f32
    %max3A_13 = vector.broadcast %max3A : f32 to vector<19x2048xf32>
    %max3A_14 = arith.maximumf %add3A_12, %max3A_13 : vector<19x2048xf32>
    %div3A = arith.divf %add3A, %max3A_14 : vector<19x2048xf32>
    %reduce_sum3A_15 = arith.constant dense<0.000000e+00> : vector<19xf32>
    %reduce_sum3A_16 = vector.multi_reduction <add>, %div3A, %reduce_sum3A_15 [1] : vector<19x2048xf32> to vector<19xf32>
    %broadcast_in_dim3A = vector.shape_cast %reduce_sum3A_16 : vector<19xf32> to vector<19x1xf32>
    %slice3A_17 = vector.extract_strided_slice %div3A {offsets = [0, 0], sizes = [19, 1], strides = [1, 1]} : vector<19x2048xf32> to vector<19x1xf32>
    %mul3A = arith.constant 5.000000e-01 : f32
    %mul3A_18 = vector.broadcast %mul3A : f32 to vector<19x1xf32>
    %mul3A_19 = arith.mulf %mul3A_18, %slice3A_17 : vector<19x1xf32>
    %sub3A = arith.subf %broadcast_in_dim3A, %mul3A_19 : vector<19x1xf32>
    %mul3A_20 = arith.constant 4.8828125E-4 : f32
    %mul3A_21 = vector.broadcast %mul3A_20 : f32 to vector<19x1xf32>
    %mul3A_22 = arith.mulf %sub3A, %mul3A_21 : vector<19x1xf32>
    %gt3A = arith.constant 0.000000e+00 : f32
    %gt3A_23 = vector.broadcast %gt3A : f32 to vector<19x1xf32>
    %gt3A_24 = arith.cmpf ogt, %slice3A_10, %gt3A_23 : vector<19x1xf32>
    %jit3A = arith.constant 0.000000e+00 : f32
    %broadcast_in_dim3A_25 = vector.broadcast %jit3A : f32 to vector<19x1xf32>
    %select_n3A = arith.select %gt3A_24, %mul3A_22, %broadcast_in_dim3A_25 : vector<19x1xi1>, vector<19x1xf32>
    %reduce_sum3A_26 = vector.shape_cast %select_n3A : vector<19x1xf32> to vector<1x19x1xf32>
    %reduce_sum3A_27 = arith.constant dense<0.000000e+00> : vector<1xf32>
    %reduce_sum3A_28 = vector.multi_reduction <add>, %reduce_sum3A_26, %reduce_sum3A_27 [1, 2] : vector<1x19x1xf32> to vector<1xf32>
    %reduce_sum3A_29 = vector.shape_cast %reduce_sum3A_28 : vector<1xf32> to vector<1x1x1xf32>
    %reduce_sum3A_30 = vector.extract %reduce_sum3A_29[0, 0, 0] : f32 from vector<1x1x1xf32>
    %jit3A_31 = arith.constant 1.000000e+00 : f32
    %jit3A_32 = arith.constant 0.000000e+00 : f32
    %broadcast_in_dim3A_33 = vector.broadcast %jit3A_31 : f32 to vector<19x1xf32>
    %broadcast_in_dim3A_34 = vector.broadcast %jit3A_32 : f32 to vector<19x1xf32>
    %select_n3A_35 = arith.select %gt3A_24, %broadcast_in_dim3A_33, %broadcast_in_dim3A_34 : vector<19x1xi1>, vector<19x1xf32>
    %reduce_sum3A_36 = vector.shape_cast %select_n3A_35 : vector<19x1xf32> to vector<1x19x1xf32>
    %reduce_sum3A_37 = arith.constant dense<0.000000e+00> : vector<1xf32>
    %reduce_sum3A_38 = vector.multi_reduction <add>, %reduce_sum3A_36, %reduce_sum3A_37 [1, 2] : vector<1x19x1xf32> to vector<1xf32>
    %reduce_sum3A_39 = vector.shape_cast %reduce_sum3A_38 : vector<1xf32> to vector<1x1x1xf32>
    %reduce_sum3A_40 = vector.extract %reduce_sum3A_39[0, 0, 0] : f32 from vector<1x1x1xf32>
    %div3A_41 = arith.divf %reduce_sum3A_30, %reduce_sum3A_40 : f32
    %reshape3A = vector.broadcast %div3A_41 : f32 to vector<1x1xf32>
    %swap3A = arith.constant 0 : index
    %swap3A_42 = arith.constant 0 : index
    %swap3A_43 = vector.load %arg1[%swap3A, %swap3A_42] : memref<1x1xf32, #tpu.memory_space<vmem>>, vector<1x1xf32>
    tpu.vector_store %arg1[%swap3A, %swap3A_42], %reshape3A {strides = array<i32>} : memref<1x1xf32, #tpu.memory_space<vmem>>, vector<1x1xf32>,
    return
  }
}

</mosaic_0001>

<sc_bundles>
// kernel: kernel.5.cloned.1.call-start
scs
__scs_entry_jumppad:
0x0: {  	(pc) =	sbr.rel $0x88, $3  }
0x1: {  	(tag) =	ssettag $0x0;
	lr =	simm.s32 $0x1  }
0x2: {  	[smem:$0x3F9F] =	sst lr;
	_ =	strace $0xD0000000  }
0x3: {  	_ = 	snop  }
0x4: {  	_ = 	snop  }
0x5: {  	_ = 	snop  }
0x6: {  	_ = 	snop  }
0x7: {  	_ = 	snop  }
__scs_overlays_trampoline_lowered:
0x8: {  	[smem:$0x3FAE] =	sst s0  }
0x9: {  	[smem:$0x3FAF] =	sst s1  }
0xa: {  	[smem:$0x3FB0] =	sst s2  }
0xb: {  	[smem:$0x3FB1] =	sst s3  }
0xc: {  	[smem:$0x3FB2] =	sst s4  }
0xd: {  	[smem:$0x3FB3] =	sst s5  }
0xe: {  	[smem:$0x3FB4] =	sst s6  }
0xf: {  	[smem:$0x3FB5] =	sst s7  }
0x10: {  	[smem:$0x3FB6] =	sst s8  }
0x11: {  	[smem:$0x3FB7] =	sst s9;
	s0 =	simm.s32 @!p0 $0x0  }
0x12: {  	s1 =	sld [smem:$0x3F9D];
	s0 =	simm.s32 @p0 $0x1  }
0x13: {  	[smem:$0x3FB8] =	sst s0;
	s0 =	simm.s32 @!p1 $0x0  }
0x14: {  	s2 =	sld [smem:$0x3F9C];
	s0 =	simm.s32 @p1 $0x1  }
0x15: {  	[smem:$0x3FB9] =	sst s0;
	s0 =	simm.s32 @!p2 $0x0  }
0x16: {  	s3 =	sld [smem:$0x3FDB];
	s0 =	simm.s32 @p2 $0x1  }
0x17: {  	s4 =	simm.s32 $0x1BF5;
	[smem:$0x3FBB] =	sst s0  }
0x18: {  	s0 =	sld [smem:$0x3F9E];
	_ =	swait.ge [sflag:s4], $0x0  }
0x19: {  	s7 =	sld [smem:$0x3F9F]  }
0x1a: {  	s8 =	sadd.s32 $0xFFFFE003, lr  }
0x1b: {  	s9 =	sadd.s32 $0xFFFFFEF7, lr;
	s5 =	simm.s32 $0xFFFFFFFF;
	p2 =	slt.u32 s8, $0xFFFFF086  }
0x1c: {  	p1 =	slt.u32 s9, $0xF7A;
	s5 =	simm.s32 @!p2 $0x0  }
0x1d: {  	s5 =	simm.s32 @p1 $0x1;
	p0 =	seq.s32 s7, s2  }
0x1e: {  	s7 =	smul.u32 @!p0 $0xF7A, s2;
	p2 =	seq.s32 @!p0 s5, $0x0  }
0x1f: {  	s9 =	smul.u32 $0xF7A, s1;
	s8 =	simm.s32 @!p0 $0x1BF5;
	p2 =	por !p2, p0  }
0x20: {  	[sflag:s8] =	ssyncset.s32 @!p0 $0xFFFFF086;
	s6 =	sadd.s32 @!p0 s3, s7;
	s7 =	simm.s32 @!p0 $0x108  }
0x21: {  	s3 =	sadd.s32 s3, s9;
	s6 =	sadd.s32 @!p0 $0x88, s6;
	s7 =	simm.s32 @p2 $0x1082  }
0x22: {  	[simem:s7], [sflag:s8] =	dma.local @!p0 [hbm:s6], $0xF7A  }
0x23: {  	s9 =	sor.u32 $0xD0000000, s2;
	s6 =	simm.s32 $0x108;
	_ =	swait.ge @!p0 [sflag:s8], $0x0  }
0x24: {  	s3 =	sadd.s32 $0x88, s3;
	s6 =	simm.s32 @!p1 $0x1082;
	[sflag:s4] =	ssyncset.s32 $0xFFFFF086  }
0x25: {  	[simem:s6], [sflag:s4] =	dma.local [hbm:s3], $0xF7A  }
0x26: {  	[smem:$0x3F9F] =	sst s1;
	(tag) =	ssettag s2;
	_ =	strace s9  }
0x27: {  	s1 =	sld [smem:$0x3FAF]  }
0x28: {  	s2 =	sld [smem:$0x3FB0]  }
0x29: {  	s4 =	sld [smem:$0x3FB2]  }
0x2a: {  	p0 =	seq.s32 s5, $0x0;
	s5 =	sld [smem:$0x3FB3]  }
0x2b: {  	s6 =	sld [smem:$0x3FB4]  }
0x2c: {  	s7 =	sld [smem:$0x3FB5]  }
0x2d: {  	s3 =	simm.s32 $0x108;
	s8 =	sld [smem:$0x3FB6]  }
0x2e: {  	s3 =	simm.s32 @!p0 $0x1082;
	s9 =	sld [smem:$0x3FB7]  }
0x2f: {  	lr =	sadd.s32 s0, s3;
	s0 =	sld [smem:$0x3FAE]  }
0x30: {  	s3 =	sld [smem:$0x3FB1]  }
0x31: {  	[smem:$0x3FBA] =	sst s10  }
0x32: {  	s10 =	sld [smem:$0x3FB8];
	_ =	sdelay $0x3  }
0x33: {  	p0 =	seq.s32 s10, $0x1;
	s10 =	sld [smem:$0x3FBA];
	_ =	sdelay $0x3  }
0x34: {  	[smem:$0x3FBA] =	sst s10  }
0x35: {  	s10 =	sld [smem:$0x3FB9];
	_ =	sdelay $0x3  }
0x36: {  	p1 =	seq.s32 s10, $0x1;
	s10 =	sld [smem:$0x3FBA];
	_ =	sdelay $0x3  }
0x37: {  	[smem:$0x3FBA] =	sst s10  }
0x38: {  	s10 =	sld [smem:$0x3FBB]  }
0x39: {  	_ = 	snop;
	(pc) =	sbr.ind lr, $3  }
0x3a: {  	_ = 	snop  }
0x3b: {  	_ = 	snop  }
0x3c: {  	p2 =	seq.s32 s10, $0x1;
	s10 =	sld [smem:$0x3FBA]  }
0x3d: {  	_ =	shalt  }
0x3e: {  	_ =	shalt  }
0x3f: {  	_ =	shalt  }
0x40: {  	_ =	shalt  }
0x41: {  	_ =	shalt  }
0x42: {  	_ =	shalt  }
0x43: {  	_ =	shalt  }
0x44: {  	_ =	shalt  }
0x45: {  	_ =	shalt  }
0x46: {  	_ =	shalt  }
0x47: {  	_ =	shalt  }
0x48: {  	_ =	shalt  }
0x49: {  	_ =	shalt  }
0x4a: {  	_ =	shalt  }
0x4b: {  	_ =	shalt  }
0x4c: {  	_ =	shalt  }
0x4d: {  	_ =	shalt  }
0x4e: {  	_ =	shalt  }
0x4f: {  	_ =	shalt  }
0x50: {  	_ =	shalt  }
0x51: {  	_ =	shalt  }
0x52: {  	_ =	shalt  }
0x53: {  	_ =	shalt  }
0x54: {  	_ =	shalt  }
0x55: {  	_ =	shalt  }
0x56: {  	_ =	shalt  }
0x57: {  	_ =	shalt  }
0x58: {  	_ =	shalt  }
0x59: {  	_ =	shalt  }
0x5a: {  	_ =	shalt  }
0x5b: {  	_ =	shalt  }
0x5c: {  	_ =	shalt  }
0x5d: {  	_ =	shalt  }
0x5e: {  	_ =	shalt  }
0x5f: {  	_ =	shalt  }
0x60: {  	_ =	shalt  }
0x61: {  	_ =	shalt  }
0x62: {  	_ =	shalt  }
0x63: {  	_ =	shalt  }
0x64: {  	_ =	shalt  }
0x65: {  	_ =	shalt  }
0x66: {  	_ =	shalt  }
0x67: {  	_ =	shalt  }
0x68: {  	_ =	shalt  }
0x69: {  	_ =	shalt  }
0x6a: {  	_ =	shalt  }
0x6b: {  	_ =	shalt  }
0x6c: {  	_ =	shalt  }
0x6d: {  	_ =	shalt  }
0x6e: {  	_ =	shalt  }
0x6f: {  	_ =	shalt  }
0x70: {  	_ =	shalt  }
0x71: {  	_ =	shalt  }
0x72: {  	_ =	shalt  }
0x73: {  	_ =	shalt  }
0x74: {  	_ =	shalt  }
0x75: {  	_ =	shalt  }
0x76: {  	_ =	shalt  }
0x77: {  	_ =	shalt  }
0x78: {  	_ =	shalt  }
0x79: {  	_ =	shalt  }
0x7a: {  	_ =	shalt  }
0x7b: {  	_ =	shalt  }
0x7c: {  	_ =	shalt  }
0x7d: {  	_ =	shalt  }
0x7e: {  	_ =	shalt  }
0x7f: {  	_ =	shalt  }
0x80: {  	_ =	shalt  }
0x81: {  	_ =	shalt  }
0x82: {  	_ =	shalt  }
0x83: {  	_ =	shalt  }
0x84: {  	_ =	shalt  }
0x85: {  	_ =	shalt  }
0x86: {  	_ =	shalt  }
0x87: {  	_ =	shalt  }
.Lfunc_end0:
.L_simem_size_0:
called_computation_lowered:
.L_overlay_start_0:
0x88: {  	s2 =	sld [smem:$0x3FD9]  }
0x89: {  	s3 =	sld [smem:$0x3FFE];
	_ =	sdelay $0x1  }
0x8a: {  	s1 =	srdreg.scid  }
0x8b: {  	s0 =	sand.u32 $0x1, s1  }
0x8c: {  	s16 =	sshll.u32 s0, $0xA;
	s2 =	sadd.s32 s3, s2  }
0x8d: {  	s2 =	sadd.s32 s2, s16  }
0x8e: {  	[smem:$0x3FC6] =	sst s2  }
0x8f: {  	_ = 	snop  }
0x90: {  	(tm) =	ssettm $0x1  }
0x91: {  	s17 =	sld [smem:$0x3FFB];
	_ =	sdelay $0x3  }
0x92: {  	_ =	strace s17  }
0x93: {  	s2 =	sld [smem:$0x3FFC];
	_ =	sdelay $0x3  }
0x94: {  	_ =	strace s2  }
0x95: {  	s2 =	sld [smem:$0x3FFD];
	_ =	sdelay $0x3  }
0x96: {  	_ =	strace s2  }
0x97: {  	_ =	strace $0x8FFFFFFF  }
0x98: {  	s18 =	sld [smem:$0x3FDB];
	_ =	sdelay $0x1  }
0x99: {  	s19 =	simm.s32 $_scs_section_size  }
0x9a: {  	s4 =	simm.s32 $_size__tile_overlayer_lowered;
	s5 =	simm.s32 $_tile_overlayer_lowered  }
0x9b: {  	s22 =	simm.s32 $0x1BFF;
	s21 =	sshll.u32 s5, $0x1;
	s2 =	sadd.s32 s19, s18  }
0x9c: {  	s6 =	simm.s32 $0x0;
	s20 =	sshll.u32 s4, $0x1;
	s4 =	sadd.s32 s21, s2  }
0x9d: {  	[timem:s6], [sflag:s22] =	dma.local [hbm:s4], s20  }
0x9e: {  	_ =	swait.ge [sflag:s22], s20  }
0x9f: {  	s3 =	ssub.s32 $0x0, s20;
	[sflag:s22] =	ssyncset.done $0x0  }
0xa0: {  	[sflag:s22] =	ssyncadd.s32 s3;
	_ =	sdelay $0x1  }
0xa1: {  	s23 =	simm.s32 $0x1B8B  }
0xa2: {  	_ =	swait.ge [sflag:s23], $0x1  }
0xa3: {  	[sflag:s23] =	ssyncset.done $0x0  }
0xa4: {  	s25 =	simm.s32 $0x1B8E;
	s24 =	sld [smem:$0x3FFE];
	[sflag:s23] =	ssyncadd.s32 $0xFFFFFFFF  }
0xa5: {  	s26 =	simm.s32 $execute0_lowered;
	[smem:$0x3FD2] =	sst s25  }
0xa6: {  	s4 =	sshll.u32 s26, $0x1;
	_ =	strace $0x80000046;
	[dreg:$0x1] =	wrdreg $0xFFFFFFFF  }
0xa7: {  	s28 =	simm.s32 $_size_execute0_lowered;
	s2 =	sadd.s32 s2, s4;
	[dreg:$0x0] =	wrdreg $0x0  }
0xa8: {  	s4 =	sshll.u32 s28, $0x1;
	[dreg:$0x2] =	wrdreg s2  }
0xa9: {  	[dreg:$0x3] =	wrdreg s4  }
0xaa: {  	[dreg:$0x4] =	wrdreg $0xC0  }
0xab: {  	_ =	task [dreg:s6], $0x5FFFF  }
0xac: {  	[dreg:$0x1] =	wrdreg $0xFFFFFFFF  }
0xad: {  	[dreg:$0x0] =	wrdreg $0x60  }
0xae: {  	[dreg:$0x2] =	wrdreg s24  }
0xaf: {  	[dreg:$0x3] =	wrdreg $0x9  }
0xb0: {  	_ =	task.clear_ibuf [dreg:s6], $0x4FFFF;
	_ =	strace $0x90000046  }
0xb1: {  	s29 =	simm.s32 $0x9;
	_ =	strace $0x80000048  }
0xb2: {  	_ =	swait.ge [sflag:s29], $0x1  }
0xb3: {  	[sflag:s29] =	ssyncadd.s32 $0xFFFFFFFF  }
0xb4: {  	_ =	strace $0x90000048  }
0xb5: {  	_ =	sfence  }
0xb6: {  	s30 =	sld [smem:$0x0];
	_ =	sdelay $0x2  }
0xb7: {  	s31 =	sshll.u32 s1, $0xD;
	s1 =	sshrl.u32 s1, $0x2  }
0xb8: {  	s3 =	sand.u32 $0x4000, s31;
	s1 =	sadd.s32 s1, s30  }
0xb9: {  	s0 =	sor.u32 s3, s0;
	s1 =	sshll.u32 s1, $0x11  }
0xba: {  	s0 =	sor.u32 s1, s0  }
0xbb: {  	s0 =	sadd.s32 $0x8F2B, s0  }
0xbc: {  	[sflag:s0] =	ssyncadd.remote.s32 $0x1  }
0xbd: {  	_ =	sfence.sel $0xFFFF  }
0xbe: {  	[dreg:$0x0] =	wrdreg $0xFFFFFFFF;
	(pc) =	sbr.abs _section_cstart, $3  }
0xbf: {  	[dreg:$0x1] =	wrdreg $0xFFFFFFFF  }
0xc0: {  	_ =	task.clear_ibuf [dreg:s6], $0x2FFFF;
	_ =	strace $0x9FFFFFFF  }
0xc1: {  	(tm) =	ssettm $0x7FFFFFFF  }
tec
execute0_lowered:
.L_overlay_start_1:
0x0: {  	(tag) =	ssettag $0x1  }
0x1: {  	s4 =	rddreg [dreg:$0x0]  }
0x2: {  	s0 =	rddreg [dreg:$0x1]  }
0x3: {  	s3 =	srdreg.scid;
	s1 =	stileid.u32;
	s2 =	simm.s32 $0x0  }
0x4: {  	s10 =	simm.s32 $0x4C00;
	s11 =	simm.s32 $0x9800;
	s12 =	simm.s32 $0x2  }
0x5: {  	s13 =	simm.s32 $0x3;
	s5 =	sand.u32 $0x1, s3;
	s30 =	sshll.u32 s1, $0x1  }
0x6: {  	s14 =	simm.s32 $0x0;
	[smem:$0x7FF] =	sst s2;
	s6 =	sor.u32 s5, s30  }
0x7: {  	s3 =	sadd.s32 $0x600, s4;
	s5 =	ssub.s32 $0x2, s5;
	s7 =	smul.u32 $0x2600, s6  }
0x8: {  	s8 =	smul.u32 $0x13000, s6;
	s31 =	sshrl.u32 s5, $0x1;
	s6 =	sshll.u32 s6, $0x5  }
0x9: {  	_ =	strace $0x80000047;
	s9 =	ssub.s32 s5, s31;
	s5 =	sor.u32 $0x1, s6  }
0xa: {  	s6 =	sor.u32 $0x2, s6;
	s7 =	sadd.s32 s7, s4;
	s4 =	sadd.s32 s3, s8  }
0xb: {  	v0 =	vimm.f32 $0.0e+00;
	v1 =	vimm.f32 $1.000000000e+00;
	s8 =	smax.u32 s9, $0x1;
	s9 =	simm.s32 $0x1;
	s7 =	sadd.s32 $0x260600, s7  }
.LBB2_1:
0xc: {  	s15 =	simm.s32 $0x0;
	s16 =	simm.s32 $0x200  }
.LBB2_2:
0xd: {  	p0 =	sne.s32 s16, $0x4BE00;
	[tilespmem:s15+$0x9870] =	vst v0  }
0xe: {  	[tilespmem:s15+$0x9800] =	vst v0  }
0xf: {  	[tilespmem:s15+$0x9810] =	vst v0  }
.Ltmp0:
0x10: {  	[tilespmem:s15+$0x9820] =	vst v0;
	(pc) =	sbr.rel @p0 .LBB2_2-.Ltmp0, $4  }
0x11: {  	[tilespmem:s15+$0x9830] =	vst v0  }
0x12: {  	[tilespmem:s15+$0x9840] =	vst v0  }
0x13: {  	[tilespmem:s15+$0x9850] =	vst v0  }
0x14: {  	[tilespmem:s15+$0x9860] =	vst v0;
	s15 =	sshra.s32 s16, $0x2;
	s16 =	sadd.s32 $0x200, s16  }
0x15: {  	[tilespmem:s15+$0x9870] =	vst v0  }
0x16: {  	[tilespmem:s15+$0x9800] =	vst v0  }
0x17: {  	[tilespmem:s15+$0x9810] =	vst v0  }
0x18: {  	[tilespmem:s15+$0x9820] =	vst v0  }
0x19: {  	[tilespmem:s15+$0x9830] =	vst v0  }
0x1a: {  	[tilespmem:s15+$0x9840] =	vst v0  }
0x1b: {  	[tilespmem:s15+$0x9850] =	vst v0  }
0x1c: {  	[tilespmem:s15+$0x9860] =	vst v0;
	s15 =	simm.s32 $0x0;
	s16 =	simm.s32 $0x0  }
0x1d: {  	[tilespmem:s15], [sflag:$0x1] =	stream.linear.gather [hbm4b:s4+s15], $0x4C00, $0x38;
	[tilespmem:$0x1C800] =	vst v63  }
.LBB2_4:
0x1e: {  	s17 =	sshll.u32 s16, $0x1  }
0x1f: {  	s18 =	sadd.s32 s5, s17  }
0x20: {  	_ =	swait.ge [sflag:s9], $0x4C00;
	s18 =	smul.u32 $0x980, s18  }
0x21: {  	[sflag:s9] =	ssyncset.done $0x0  }
0x22: {  	[sflag:s9] =	ssyncadd.s32 $0xFFFFB400;
	s18 =	sadd.s32 s3, s18  }
0x23: {  	[tilespmem:s10], [sflag:$0x2] =	stream.linear.gather [hbm4b:s18+s15], $0x4C00, $0x38;
	[tilespmem:$0x1C800] =	vst v63  }
0x24: {  	s19 =	simm.s32 $0x0;
	s20 =	simm.s32 $0x0;
	s18 =	simm.s32 $0x0  }
.LBB2_5:
0x25: {  	s21 =	sand.u32 $0x70, s20;
	s22 =	sand.u32 $0x7C00, s19  }
0x26: {  	s21 =	sor.u32 s21, s22  }
0x27: {  	v2 =	vld [tilespmem:s21+$0x0];
	_ =	sdelay $0x7  }
0x28: {  	[tilespmem:v2+s11+$0x0] =	vst.idx.add.f32.msk $0xffff, v1  }
0x29: {  	v2 =	vld [tilespmem:s21+$0x80];
	_ =	sdelay $0x7  }
0x2a: {  	[tilespmem:v2+s11+$0x0] =	vst.idx.add.f32.msk $0xffff, v1  }
0x2b: {  	v2 =	vld [tilespmem:s21+$0x100];
	_ =	sdelay $0x7  }
0x2c: {  	[tilespmem:v2+s11+$0x0] =	vst.idx.add.f32.msk $0xffff, v1  }
0x2d: {  	v2 =	vld [tilespmem:s21+$0x180];
	_ =	sdelay $0x7  }
0x2e: {  	[tilespmem:v2+s11+$0x0] =	vst.idx.add.f32.msk $0xffff, v1  }
0x2f: {  	v2 =	vld [tilespmem:s21+$0x200];
	_ =	sdelay $0x7  }
0x30: {  	[tilespmem:v2+s11+$0x0] =	vst.idx.add.f32.msk $0xffff, v1  }
0x31: {  	v2 =	vld [tilespmem:s21+$0x280];
	_ =	sdelay $0x7  }
0x32: {  	[tilespmem:v2+s11+$0x0] =	vst.idx.add.f32.msk $0xffff, v1  }
0x33: {  	v2 =	vld [tilespmem:s21+$0x300];
	_ =	sdelay $0x4  }
0x34: {  	s31 =	sand.u32 $0x7, s18  }
0x35: {  	s21 =	sshll.u32 s31, $0x4  }
0x36: {  	s21 =	sadd.s32 s21, s19  }
0x37: {  	s21 =	sor.u32 $0x380, s21;
	[tilespmem:v2+s11+$0x0] =	vst.idx.add.f32.msk $0xffff, v1  }
0x38: {  	v2 =	vld [tilespmem:s21+$0x0];
	_ =	sdelay $0x2  }
0x39: {  	p0 =	sne.s32 s20, $0x970  }
.Ltmp1:
0x3a: {  	_ = 	snop;
	(pc) =	sbr.rel @p0 .LBB2_5-.Ltmp1, $2  }
0x3b: {  	_ =	sdelay $0x2  }
0x3c: {  	s18 =	sadd.s32 $0x1, s18;
	s20 =	sadd.s32 $0x10, s20;
	s19 =	sadd.s32 $0x80, s19;
	[tilespmem:v2+s11+$0x0] =	vst.idx.add.f32.msk $0xffff, v1  }
0x3d: {  	p0 =	seq.s32 s16, $0xF  }
0x3e: {  	s17 =	sadd.s32 @!p0 s17, s6  }
0x3f: {  	_ =	swait.ge [sflag:s12], $0x4C00;
	s17 =	smul.u32 @!p0 $0x980, s17  }
0x40: {  	[sflag:s12] =	ssyncset.done $0x0  }
0x41: {  	s18 =	simm.s32 @!p0 $0x0;
	[sflag:s12] =	ssyncadd.s32 $0xFFFFB400;
	s17 =	sadd.s32 @!p0 s3, s17  }
0x42: {  	[tilespmem:s18], [sflag:$0x1] =	stream.linear.gather @!p0 [hbm4b:s17+s18], $0x4C00, $0x38;
	[tilespmem:$0x1C800] =	vst v63  }
0x43: {  	s19 =	simm.s32 $0x0;
	s17 =	simm.s32 $0x0;
	s18 =	simm.s32 $0x0  }
.LBB2_7:
0x44: {  	s20 =	sand.u32 $0x70, s19;
	s21 =	sand.u32 $0x7C00, s18  }
0x45: {  	s20 =	sor.u32 s20, s21  }
0x46: {  	v2 =	vld [tilespmem:s20+$0x4C00];
	_ =	sdelay $0x7  }
0x47: {  	[tilespmem:v2+s11+$0x0] =	vst.idx.add.f32.msk $0xffff, v1  }
0x48: {  	v2 =	vld [tilespmem:s20+$0x4C80];
	_ =	sdelay $0x7  }
0x49: {  	[tilespmem:v2+s11+$0x0] =	vst.idx.add.f32.msk $0xffff, v1  }
0x4a: {  	v2 =	vld [tilespmem:s20+$0x4D00];
	_ =	sdelay $0x7  }
0x4b: {  	[tilespmem:v2+s11+$0x0] =	vst.idx.add.f32.msk $0xffff, v1  }
0x4c: {  	v2 =	vld [tilespmem:s20+$0x4D80];
	_ =	sdelay $0x7  }
0x4d: {  	[tilespmem:v2+s11+$0x0] =	vst.idx.add.f32.msk $0xffff, v1  }
0x4e: {  	v2 =	vld [tilespmem:s20+$0x4E00];
	_ =	sdelay $0x7  }
0x4f: {  	[tilespmem:v2+s11+$0x0] =	vst.idx.add.f32.msk $0xffff, v1  }
0x50: {  	v2 =	vld [tilespmem:s20+$0x4E80];
	_ =	sdelay $0x7  }
0x51: {  	[tilespmem:v2+s11+$0x0] =	vst.idx.add.f32.msk $0xffff, v1  }
0x52: {  	v2 =	vld [tilespmem:s20+$0x4F00];
	_ =	sdelay $0x4  }
0x53: {  	s31 =	sand.u32 $0x7, s17  }
0x54: {  	s20 =	sshll.u32 s31, $0x4  }
0x55: {  	s20 =	sadd.s32 s20, s18  }
0x56: {  	s20 =	sor.u32 $0x380, s20;
	[tilespmem:v2+s11+$0x0] =	vst.idx.add.f32.msk $0xffff, v1  }
0x57: {  	v2 =	vld [tilespmem:s20+$0x4C00];
	_ =	sdelay $0x2  }
0x58: {  	p0 =	sne.s32 s19, $0x970  }
.Ltmp2:
0x59: {  	_ = 	snop;
	(pc) =	sbr.rel @p0 .LBB2_7-.Ltmp2, $2  }
0x5a: {  	_ =	sdelay $0x2  }
0x5b: {  	s17 =	sadd.s32 $0x1, s17;
	s19 =	sadd.s32 $0x10, s19;
	s18 =	sadd.s32 $0x80, s18;
	[tilespmem:v2+s11+$0x0] =	vst.idx.add.f32.msk $0xffff, v1  }
0x5c: {  	s16 =	sadd.s32 $0x1, s16  }
0x5d: {  	p0 =	sne.s32 s16, $0x10  }
.Ltmp3:
0x5e: {  	_ = 	snop;
	(pc) =	sbr.rel @p0 .LBB2_4-.Ltmp3, $1  }
0x5f: {  	_ =	sdelay $0x3  }
0x60: {  	s14 =	sadd.s32 $0x1, s14  }
0x61: {  	p0 =	sne.s32 s14, s8  }
.Ltmp4:
0x62: {  	_ = 	snop;
	(pc) =	sbr.rel @p0 .LBB2_1-.Ltmp4, $4  }
0x63: {  	[hbm4b:s7+s2] =	stream.linear.scatter [tilespmem:s11], [sflag:$0x3], $0x13000, $0x38;
	[tilespmem:$0x1C800] =	vst v63  }
0x64: {  	_ =	swait.ge [sflag:s13], $0x13000  }
0x65: {  	[sflag:s13] =	ssyncset.done $0x0  }
0x66: {  	[sflag:s13] =	ssyncadd.s32 $0xFFFED000  }
0x67: {  	_ =	sfence.sel $0x180000  }
0x68: {  	[bflag:$0x0] =	sbarrier.arrive $0xFFFF  }
0x69: {  	p0 =	sne.s32 s1, $0x0;
	_ =	strace $0x90000047  }
0x6a: {  	s0 =	sadd.s32 @!p0 $0x100000, s0;
	[bflag:$0x2] =	sbarrier.arrive $0xFFFF  }
0x6b: {  	[sflag:s0] =	ssyncadd.tile.s32 @!p0 $0x1;
	_ =	shalt  }
.Lfunc_end2:
_tile_overlayer_lowered:
.L_overlay_start_2:
0x6c: {  	(tag) =	ssettag $0x2  }
0x6d: {  	s0 =	rddreg [dreg:$0x0];
	s2 =	stileid.u32  }
0x6e: {  	s1 =	rddreg [dreg:$0x1];
	p0 =	sne.s32 s2, $0x0  }
0x6f: {  	s3 =	rddreg [dreg:$0x2];
	[bflag:$0x3] =	sbarrier.arrive $0xFFFF;
	s2 =	simm.s32 @!p0 $0x1C03  }
0x70: {  	[timem:s3], [sflag:s2] =	dma.local @!p0 [hbm:s0], s1  }
0x71: {  	s0 =	simm.s32 @!p0 $0x3  }
0x72: {  	_ =	swait.ge @!p0 [sflag:s0], s1  }
0x73: {  	s1 =	ssub.s32 @!p0 $0x0, s1;
	[sflag:s0] =	ssyncset.done @!p0 $0x0  }
0x74: {  	[sflag:s0] =	ssyncadd.s32 @!p0 s1  }
0x75: {  	[bflag:$0x3] =	sbarrier.arrive $0xFFFF  }
0x76: {  	_ =	shalt  }

</sc_bundles>
